<compile_context>
chip_gen: v7x
topology: tpu7x:2x2x1
jax: 0.10.2.dev20260603
libtpu: 0.0.44.dev20260713+nightly
codegen_flags: <defaults>
</compile_context>

<pallas_src>
import jax
import jax.numpy as jnp
from jax import lax
from jax.experimental import pallas as pl
from jax.experimental.pallas import tpu as pltpu
from jax.experimental.pallas import tpu_sc as plsc

B = 256
SEQ = 201
D = 768
M = 100000

_NC = 2
_NS = 16
_ROWS_PER_TILE = B // (_NC * _NS)


def _mesh():
  return plsc.VectorSubcoreMesh(core_axis_name="c", subcore_axis_name="s",
                                num_cores=_NC, num_subcores=_NS)


def _sc_gather_body(table_hbm, idx_hbm, out_hbm, idx_v, rows_v, sem):
  wid = lax.axis_index("s") * _NC + lax.axis_index("c")
  base = wid * _ROWS_PER_TILE
  pltpu.sync_copy(idx_hbm.at[pl.ds(base, _ROWS_PER_TILE)], idx_v)
  pltpu.async_copy(table_hbm.at[idx_v], rows_v, sem).wait()
  pltpu.sync_copy(rows_v, out_hbm.at[pl.ds(base, _ROWS_PER_TILE)])


def _sc_gather(table, idx):
  gather = pl.kernel(
      _sc_gather_body,
      out_type=jax.ShapeDtypeStruct((B, D), jnp.float32),
      mesh=_mesh(),
      scratch_types=[
          pltpu.VMEM((_ROWS_PER_TILE,), jnp.int32),
          pltpu.VMEM((_ROWS_PER_TILE, D), jnp.float32),
          pltpu.SemaphoreType.DMA,
      ],
  )
  return gather(table, idx)


def _sc_scatter(afu, gsend, idx):

  def stage(refs):
    afu_ref, gsend_ref, idx_ref = refs

    @pl.core_map(_mesh())
    def _():
      def inner(idx_v, rows_v, sem):
        wid = lax.axis_index("s") * _NC + lax.axis_index("c")
        base = wid * _ROWS_PER_TILE
        pltpu.sync_copy(idx_ref.at[pl.ds(base, _ROWS_PER_TILE)], idx_v)
        pltpu.sync_copy(gsend_ref.at[pl.ds(base, _ROWS_PER_TILE)], rows_v)
        pltpu.async_copy(rows_v, afu_ref.at[idx_v], sem).wait()

      pl.run_scoped(inner,
                    pltpu.VMEM((_ROWS_PER_TILE,), jnp.int32),
                    pltpu.VMEM((_ROWS_PER_TILE, D), jnp.float32),
                    pltpu.SemaphoreType.DMA)

  afu_out, _, _ = pl.run_state(stage)((afu, gsend, idx))
  return afu_out


def _compute_body(g_ref, wt_ref, bt_ref, wg_ref, bg_ref,
                  ic_ref, ir_ref, text_any, text_out, gsend_out,
                  tini_v, tnew_v, semi, semo):
  del text_any
  pltpu.make_async_copy(text_out.at[0], tini_v, semi).start()

  g = g_ref[...]
  gt = lax.dot_general(g, wg_ref[...], (((1,), (1,)), ((), ())),
                       preferred_element_type=jnp.float32) + bg_ref[...]
  c = jnp.sum(gt * g, axis=1, keepdims=True)

  eqf = (ic_ref[...] == ir_ref[...]).astype(jnp.float32)
  ki = lax.broadcasted_iota(jnp.int32, (B, B), 0)
  ji = lax.broadcasted_iota(jnp.int32, (B, B), 1)
  upper = (ki > ji).astype(jnp.float32)
  suffix = lax.dot_general(eqf, upper, (((1,), (0,)), ((), ())),
                           preferred_element_type=jnp.float32)
  sel = eqf * (suffix == 0).astype(jnp.float32)

  pltpu.make_async_copy(text_out.at[0], tini_v, semi).wait()
  t = tini_v[...]
  tt = lax.dot_general(t, wt_ref[...], (((1,), (1,)), ((), ())),
                       preferred_element_type=jnp.float32) + bt_ref[...]
  a = jnp.sum(t * tt, axis=1, keepdims=True)
  b = jnp.sum(g * t, axis=1, keepdims=True)
  m = jnp.maximum(a, b)
  ea = jnp.exp(a - m)
  eb = jnp.exp(b - m)
  s = ea + eb
  tnew_v[...] = (ea / s) * t + (eb / s) * g
  out_dma = pltpu.make_async_copy(tnew_v, text_out.at[0], semo)
  out_dma.start()

  m2 = jnp.maximum(c, b)
  ec = jnp.exp(c - m2)
  ed = jnp.exp(b - m2)
  s2 = ec + ed
  graph = (ec / s2) * g + (ed / s2) * t
  gsend_out[...] = lax.dot_general(sel, graph, (((1,), (0,)), ((), ())),
                                   preferred_element_type=jnp.float32)
  out_dma.wait()


_compute = pl.pallas_call(
    _compute_body,
    grid=(1,),
    in_specs=[
        pl.BlockSpec((B, D), lambda i: (0, 0)),
        pl.BlockSpec((D, D), lambda i: (0, 0)),
        pl.BlockSpec((1, D), lambda i: (0, 0)),
        pl.BlockSpec((D, D), lambda i: (0, 0)),
        pl.BlockSpec((1, D), lambda i: (0, 0)),
        pl.BlockSpec((B, 1), lambda i: (0, 0)),
        pl.BlockSpec((1, B), lambda i: (0, 0)),
        pl.BlockSpec(memory_space=pl.ANY),
    ],
    out_specs=(
        pl.BlockSpec(memory_space=pl.ANY),
        pl.BlockSpec((B, D), lambda i: (0, 0)),
    ),
    out_shape=(
        jax.ShapeDtypeStruct((SEQ, B, D), jnp.float32),
        jax.ShapeDtypeStruct((B, D), jnp.float32),
    ),
    scratch_shapes=[
        pltpu.VMEM((B, D), jnp.float32),
        pltpu.VMEM((B, D), jnp.float32),
        pltpu.SemaphoreType.DMA,
        pltpu.SemaphoreType.DMA,
    ],
    input_output_aliases={7: 0},
)


def kernel(text, all_user_feature, user_neighbor_index, W_text, b_text,
           W_graph, b_graph):
  idx = user_neighbor_index[:, 0].astype(jnp.int32)

  graph_ini = _sc_gather(all_user_feature, idx)

  text_t = jnp.transpose(text, (1, 0, 2))
  text_out_t, gsend = _compute(
      graph_ini, W_text, b_text.reshape(1, D), W_graph,
      b_graph.reshape(1, D), idx.reshape(B, 1), idx.reshape(1, B), text_t)

  afu_out = _sc_scatter(all_user_feature, gsend, idx)
  return (jnp.transpose(text_out_t, (1, 0, 2)), afu_out)

# --- scband reference (transcript-rebuilt; emitter-appended) ---
"""Pipeline reference for scband-interact-layer-30760555774312 (READ-ONLY COPY).

The authoritative reference and input builder live on the scoring server;
editing this copy changes nothing except your own understanding.
"""

import jax, jax.numpy as jnp
import numpy as np

B = 256
SEQ = 201
D = 768
M = 100000
K = 16

def setup_inputs(seed: int = 0) -> dict:
    key = jax.random.key(seed)
    k1, k2, k3, k4, k5, k6, k7 = jax.random.split(key, 7)
    text = jax.random.normal(k1, (B, SEQ, D), dtype=jnp.float32)
    all_user_feature = jax.random.normal(k2, (M, D), dtype=jnp.float32)
    user_neighbor_index = jax.random.randint(k3, (B, K), 0, M, dtype=jnp.int64)
    lim = 1.0 / np.sqrt(D)
    W_text = jax.random.uniform(k4, (D, D), dtype=jnp.float32, minval=-lim, maxval=lim)
    b_text = jax.random.uniform(k5, (D,), dtype=jnp.float32, minval=-lim, maxval=lim)
    W_graph = jax.random.uniform(k6, (D, D), dtype=jnp.float32, minval=-lim, maxval=lim)
    b_graph = jax.random.uniform(k7, (D,), dtype=jnp.float32, minval=-lim, maxval=lim)
    return {"text": text, "all_user_feature": all_user_feature, "user_neighbor_index": user_neighbor_index,
            "W_text": W_text, "b_text": b_text, "W_graph": W_graph, "b_graph": b_graph}

def reference(text, all_user_feature, user_neighbor_index, W_text, b_text, W_graph, b_graph):
    # user_index = first neighbor of each user
    user_index = user_neighbor_index[:, 0]
    graph_ini = jnp.take(all_user_feature, user_index, axis=0)  # gather rows [B, D]
    text_ini = text[:, 0, :]
    text_rest = text[:, 1:, :]
    text_tmp = text_ini @ W_text.T + b_text
    a = jnp.sum(text_ini * text_tmp, axis=-1)[:, None]
    b = jnp.sum(graph_ini * text_ini, axis=-1)[:, None]
    a_b = jax.nn.softmax(jnp.stack((a, b)), axis=0)
    a2 = a_b[0]
    b2 = a_b[1]
    text_new = a2 * text_ini + b2 * graph_ini
    text_out = jnp.concatenate((text_new[:, None, :], text_rest), axis=1)
    graph_tmp = graph_ini @ W_graph.T + b_graph
    c = jnp.sum(graph_tmp * graph_ini, axis=-1)[:, None]
    d = jnp.sum(graph_ini * text_ini, axis=-1)[:, None]
    c_d = jax.nn.softmax(jnp.stack((c, d)), axis=0)
    c2 = c_d[0]
    d2 = c_d[1]
    graph = c2 * graph_ini + d2 * text_ini
    # scatter-overwrite updated rows back into the memory table
    all_user_feature_out = all_user_feature.at[user_index].set(graph)
    return (text_out, all_user_feature_out)

if __name__ == "__main__":
    import jax
    _d = setup_inputs()
    print(jax.jit(kernel)(*tuple(_d.values())))

</pallas_src>

<mosaic_0001>
#map = affine_map<(d0, d1) -> (0, 0)>
#map1 = affine_map<(d0, d1) -> (0)>
module attributes {stable_mosaic.version = 14 : i64} {
  func.func @_sc_gather_body(%arg0: i32, %arg1: i32, %arg2: memref<100000x768xf32, #tpu.memory_space<hbm>>, %arg3: memref<256xi32, #tpu.memory_space<hbm>>, %arg4: memref<256x768xf32, #tpu.memory_space<hbm>>, %arg5: memref<8xi32, #tpu.memory_space<vmem>>, %arg6: memref<8x768xf32, #tpu.memory_space<vmem>>, %arg7: memref<!tpu.dma_semaphore, #tpu.memory_space<semaphore_mem>>) attributes {dimension_semantics = [#tpu.dimension_semantics<core_parallel>, #tpu.dimension_semantics<subcore_parallel>], iteration_bounds = array<i64: 2, 16>, scalar_prefetch = 0 : i64, scratch_operands = 3 : i64, tpu.core_type = #tpu.core_type<sc_vector_subcore>, window_params = [{transform_indices = #map}, {transform_indices = #map1}, {transform_indices = #map}]} {
    %mul3A = arith.constant 2 : i32
    %mul3A_0 = arith.muli %arg1, %mul3A : i32
    %add3A = arith.addi %mul3A_0, %arg0 : i32
    %mul3A_1 = arith.constant 8 : i32
    %mul3A_2 = arith.muli %add3A, %mul3A_1 : i32
    "tpu.region"() ({
      %run_scoped3A = tpu.sem_alloc : memref<!tpu.dma_semaphore, #tpu.memory_space<semaphore_mem>>
      %dma_start3A_7 = tpu.memref_slice %arg3[%mul3A_2] : memref<256xi32, #tpu.memory_space<hbm>> -> memref<8xi32, #tpu.memory_space<hbm>>
      %dma_start3A_8 = tpu.memref_slice %arg3[%mul3A_2] : memref<256xi32, #tpu.memory_space<hbm>> -> memref<8xi32, #tpu.memory_space<hbm>>
      tpu.enqueue_dma source(%dma_start3A_8 : memref<8xi32, #tpu.memory_space<hbm>>) target(%arg5 : memref<8xi32, #tpu.memory_space<vmem>>) target_semaphore(%run_scoped3A : memref<!tpu.dma_semaphore, #tpu.memory_space<semaphore_mem>>)
      %dma_wait3A_9 = tpu.memref_slice %arg3[%mul3A_2] : memref<256xi32, #tpu.memory_space<hbm>> -> memref<8xi32, #tpu.memory_space<hbm>>
      %dma_wait3A_10 = tpu.memref_slice %arg3[%mul3A_2] : memref<256xi32, #tpu.memory_space<hbm>> -> memref<8xi32, #tpu.memory_space<hbm>>
      tpu.wait_dma2 semaphore(%run_scoped3A : memref<!tpu.dma_semaphore, #tpu.memory_space<semaphore_mem>>) src(%dma_wait3A_10 : memref<8xi32, #tpu.memory_space<hbm>>) dst(%arg5 : memref<8xi32, #tpu.memory_space<vmem>>)
      tpu.yield
    }) : () -> ()
    %dma_start3A = arith.constant 0 : i32
    %dma_start3A_3 = arith.constant 0 : i32
    %dma_start3A_4 = tpu.memref_slice %arg2[%dma_start3A, %dma_start3A_3] : memref<100000x768xf32, #tpu.memory_space<hbm>> -> memref<100000x768xf32, #tpu.memory_space<hbm>>
    tpu.enqueue_indirect_dma source(%dma_start3A_4 : memref<100000x768xf32, #tpu.memory_space<hbm>>) target(%arg6 : memref<8x768xf32, #tpu.memory_space<vmem>>) offsets(%arg5 : memref<8xi32, #tpu.memory_space<vmem>>) semaphore(%arg7 : memref<!tpu.dma_semaphore, #tpu.memory_space<semaphore_mem>>)
    %dma_wait3A = arith.constant 0 : i32
    %dma_wait3A_5 = arith.constant 0 : i32
    %dma_wait3A_6 = tpu.memref_slice %arg2[%dma_wait3A, %dma_wait3A_5] : memref<100000x768xf32, #tpu.memory_space<hbm>> -> memref<100000x768xf32, #tpu.memory_space<hbm>>
    tpu.wait_indirect_dma semaphore(%arg7 : memref<!tpu.dma_semaphore, #tpu.memory_space<semaphore_mem>>) src(%dma_wait3A_6 : memref<100000x768xf32, #tpu.memory_space<hbm>>) dst(%arg6 : memref<8x768xf32, #tpu.memory_space<vmem>>)
    "tpu.region"() ({
      %run_scoped3A = tpu.sem_alloc : memref<!tpu.dma_semaphore, #tpu.memory_space<semaphore_mem>>
      %dma_start3A_7 = arith.constant 0 : i32
      %dma_start3A_8 = tpu.memref_slice %arg4[%mul3A_2, %dma_start3A_7] : memref<256x768xf32, #tpu.memory_space<hbm>> -> memref<8x768xf32, #tpu.memory_space<hbm>>
      %dma_start3A_9 = arith.constant 0 : i32
      %dma_start3A_10 = tpu.memref_slice %arg4[%mul3A_2, %dma_start3A_9] : memref<256x768xf32, #tpu.memory_space<hbm>> -> memref<8x768xf32, #tpu.memory_space<hbm>>
      tpu.enqueue_dma source(%arg6 : memref<8x768xf32, #tpu.memory_space<vmem>>) target(%dma_start3A_10 : memref<8x768xf32, #tpu.memory_space<hbm>>) target_semaphore(%run_scoped3A : memref<!tpu.dma_semaphore, #tpu.memory_space<semaphore_mem>>)
      %dma_wait3A_11 = arith.constant 0 : i32
      %dma_wait3A_12 = tpu.memref_slice %arg4[%mul3A_2, %dma_wait3A_11] : memref<256x768xf32, #tpu.memory_space<hbm>> -> memref<8x768xf32, #tpu.memory_space<hbm>>
      %dma_wait3A_13 = arith.constant 0 : i32
      %dma_wait3A_14 = tpu.memref_slice %arg4[%mul3A_2, %dma_wait3A_13] : memref<256x768xf32, #tpu.memory_space<hbm>> -> memref<8x768xf32, #tpu.memory_space<hbm>>
      tpu.wait_dma2 semaphore(%run_scoped3A : memref<!tpu.dma_semaphore, #tpu.memory_space<semaphore_mem>>) src(%arg6 : memref<8x768xf32, #tpu.memory_space<vmem>>) dst(%dma_wait3A_14 : memref<8x768xf32, #tpu.memory_space<hbm>>)
      tpu.yield
    }) : () -> ()
    return
  }
}

#map = affine_map<(d0, d1) -> (0)>
#map1 = affine_map<(d0, d1) -> (0, 0)>
module attributes {stable_mosaic.version = 14 : i64} {
  func.func @_(%arg0: i32, %arg1: i32, %arg2: memref<256xi32, #tpu.memory_space<hbm>>, %arg3: memref<256x768xf32, #tpu.memory_space<hbm>>, %arg4: memref<100000x768xf32, #tpu.memory_space<hbm>>, %arg5: memref<100000x768xf32, #tpu.memory_space<hbm>>) attributes {dimension_semantics = [#tpu.dimension_semantics<core_parallel>, #tpu.dimension_semantics<subcore_parallel>], iteration_bounds = array<i64: 2, 16>, scalar_prefetch = 0 : i64, scratch_operands = 0 : i64, tpu.core_type = #tpu.core_type<sc_vector_subcore>, window_params = [{transform_indices = #map}, {transform_indices = #map1}, {transform_indices = #map1}, {transform_indices = #map1}]} {
    "tpu.region"() ({
      %run_scoped3A = memref.alloca() : memref<8xi32, #tpu.memory_space<vmem>>
      %run_scoped3A_0 = memref.alloca() : memref<8x768xf32, #tpu.memory_space<vmem>>
      %run_scoped3A_1 = tpu.sem_alloc : memref<!tpu.dma_semaphore, #tpu.memory_space<semaphore_mem>>
      %mul3A = arith.constant 2 : i32
      %mul3A_2 = arith.muli %arg1, %mul3A : i32
      %add3A = arith.addi %mul3A_2, %arg0 : i32
      %mul3A_3 = arith.constant 8 : i32
      %mul3A_4 = arith.muli %add3A, %mul3A_3 : i32
      "tpu.region"() ({
        %run_scoped3A_9 = tpu.sem_alloc : memref<!tpu.dma_semaphore, #tpu.memory_space<semaphore_mem>>
        %dma_start3A_10 = tpu.memref_slice %arg2[%mul3A_4] : memref<256xi32, #tpu.memory_space<hbm>> -> memref<8xi32, #tpu.memory_space<hbm>>
        %dma_start3A_11 = tpu.memref_slice %arg2[%mul3A_4] : memref<256xi32, #tpu.memory_space<hbm>> -> memref<8xi32, #tpu.memory_space<hbm>>
        tpu.enqueue_dma source(%dma_start3A_11 : memref<8xi32, #tpu.memory_space<hbm>>) target(%run_scoped3A : memref<8xi32, #tpu.memory_space<vmem>>) target_semaphore(%run_scoped3A_9 : memref<!tpu.dma_semaphore, #tpu.memory_space<semaphore_mem>>)
        %dma_wait3A_12 = tpu.memref_slice %arg2[%mul3A_4] : memref<256xi32, #tpu.memory_space<hbm>> -> memref<8xi32, #tpu.memory_space<hbm>>
        %dma_wait3A_13 = tpu.memref_slice %arg2[%mul3A_4] : memref<256xi32, #tpu.memory_space<hbm>> -> memref<8xi32, #tpu.memory_space<hbm>>
        tpu.wait_dma2 semaphore(%run_scoped3A_9 : memref<!tpu.dma_semaphore, #tpu.memory_space<semaphore_mem>>) src(%dma_wait3A_13 : memref<8xi32, #tpu.memory_space<hbm>>) dst(%run_scoped3A : memref<8xi32, #tpu.memory_space<vmem>>)
        tpu.yield
      }) : () -> ()
      "tpu.region"() ({
        %run_scoped3A_9 = tpu.sem_alloc : memref<!tpu.dma_semaphore, #tpu.memory_space<semaphore_mem>>
        %dma_start3A_10 = arith.constant 0 : i32
        %dma_start3A_11 = tpu.memref_slice %arg3[%mul3A_4, %dma_start3A_10] : memref<256x768xf32, #tpu.memory_space<hbm>> -> memref<8x768xf32, #tpu.memory_space<hbm>>
        %dma_start3A_12 = arith.constant 0 : i32
        %dma_start3A_13 = tpu.memref_slice %arg3[%mul3A_4, %dma_start3A_12] : memref<256x768xf32, #tpu.memory_space<hbm>> -> memref<8x768xf32, #tpu.memory_space<hbm>>
        tpu.enqueue_dma source(%dma_start3A_13 : memref<8x768xf32, #tpu.memory_space<hbm>>) target(%run_scoped3A_0 : memref<8x768xf32, #tpu.memory_space<vmem>>) target_semaphore(%run_scoped3A_9 : memref<!tpu.dma_semaphore, #tpu.memory_space<semaphore_mem>>)
        %dma_wait3A_14 = arith.constant 0 : i32
        %dma_wait3A_15 = tpu.memref_slice %arg3[%mul3A_4, %dma_wait3A_14] : memref<256x768xf32, #tpu.memory_space<hbm>> -> memref<8x768xf32, #tpu.memory_space<hbm>>
        %dma_wait3A_16 = arith.constant 0 : i32
        %dma_wait3A_17 = tpu.memref_slice %arg3[%mul3A_4, %dma_wait3A_16] : memref<256x768xf32, #tpu.memory_space<hbm>> -> memref<8x768xf32, #tpu.memory_space<hbm>>
        tpu.wait_dma2 semaphore(%run_scoped3A_9 : memref<!tpu.dma_semaphore, #tpu.memory_space<semaphore_mem>>) src(%dma_wait3A_17 : memref<8x768xf32, #tpu.memory_space<hbm>>) dst(%run_scoped3A_0 : memref<8x768xf32, #tpu.memory_space<vmem>>)
        tpu.yield
      }) : () -> ()
      %dma_start3A = arith.constant 0 : i32
      %dma_start3A_5 = arith.constant 0 : i32
      %dma_start3A_6 = tpu.memref_slice %arg4[%dma_start3A, %dma_start3A_5] : memref<100000x768xf32, #tpu.memory_space<hbm>> -> memref<100000x768xf32, #tpu.memory_space<hbm>>
      tpu.enqueue_indirect_dma source(%run_scoped3A_0 : memref<8x768xf32, #tpu.memory_space<vmem>>) target(%dma_start3A_6 : memref<100000x768xf32, #tpu.memory_space<hbm>>) offsets(%run_scoped3A : memref<8xi32, #tpu.memory_space<vmem>>) semaphore(%run_scoped3A_1 : memref<!tpu.dma_semaphore, #tpu.memory_space<semaphore_mem>>)
      %dma_wait3A = arith.constant 0 : i32
      %dma_wait3A_7 = arith.constant 0 : i32
      %dma_wait3A_8 = tpu.memref_slice %arg4[%dma_wait3A, %dma_wait3A_7] : memref<100000x768xf32, #tpu.memory_space<hbm>> -> memref<100000x768xf32, #tpu.memory_space<hbm>>
      tpu.wait_indirect_dma semaphore(%run_scoped3A_1 : memref<!tpu.dma_semaphore, #tpu.memory_space<semaphore_mem>>) src(%run_scoped3A_0 : memref<8x768xf32, #tpu.memory_space<vmem>>) dst(%dma_wait3A_8 : memref<100000x768xf32, #tpu.memory_space<hbm>>)
      tpu.yield
    }) : () -> ()
    return
  }
}

module attributes {stable_mosaic.version = 14 : i64} {
  func.func @_compute_body(%arg0: i32, %arg1: memref<256x768xf32, #tpu.memory_space<vmem>>, %arg2: memref<768x768xf32, #tpu.memory_space<vmem>>, %arg3: memref<1x768xf32, #tpu.memory_space<vmem>>, %arg4: memref<768x768xf32, #tpu.memory_space<vmem>>, %arg5: memref<1x768xf32, #tpu.memory_space<vmem>>, %arg6: memref<256x1xi32, #tpu.memory_space<vmem>>, %arg7: memref<1x256xi32, #tpu.memory_space<vmem>>, %arg8: memref<201x256x768xf32, #tpu.memory_space<any>>, %arg9: memref<201x256x768xf32, #tpu.memory_space<any>>, %arg10: memref<256x768xf32, #tpu.memory_space<vmem>>, %arg11: memref<256x768xf32, #tpu.memory_space<vmem>>, %arg12: memref<256x768xf32, #tpu.memory_space<vmem>>, %arg13: memref<!tpu.dma_semaphore, #tpu.memory_space<semaphore_mem>>, %arg14: memref<!tpu.dma_semaphore, #tpu.memory_space<semaphore_mem>>) attributes {dimension_semantics = [#tpu.dimension_semantics<arbitrary>], iteration_bounds = array<i64: 1>, scalar_prefetch = 0 : i64, scratch_operands = 4 : i64, tpu.core_type = #tpu.core_type<tc>, window_params = [{pipeline_mode = #tpu.pipeline_mode<synchronous>, transform_indices = @transform_0, window_bounds = array<i64: 256, 768>}, {pipeline_mode = #tpu.pipeline_mode<synchronous>, transform_indices = @transform_1, window_bounds = array<i64: 768, 768>}, {pipeline_mode = #tpu.pipeline_mode<synchronous>, transform_indices = @transform_2, window_bounds = array<i64: 1, 768>}, {pipeline_mode = #tpu.pipeline_mode<synchronous>, transform_indices = @transform_3, window_bounds = array<i64: 768, 768>}, {pipeline_mode = #tpu.pipeline_mode<synchronous>, transform_indices = @transform_4, window_bounds = array<i64: 1, 768>}, {pipeline_mode = #tpu.pipeline_mode<synchronous>, transform_indices = @transform_5, window_bounds = array<i64: 256, 1>}, {pipeline_mode = #tpu.pipeline_mode<synchronous>, transform_indices = @transform_6, window_bounds = array<i64: 1, 256>}, {}, {}, {pipeline_mode = #tpu.pipeline_mode<synchronous>, transform_indices = @transform_9, window_bounds = array<i64: 256, 768>}]} {
    %dma_start3A = arith.constant 0 : i32
    %dma_start3A_0 = arith.constant 0 : i32
    %dma_start3A_1 = arith.constant 0 : i32
    %dma_start3A_2 = tpu.memref_slice %arg9[%dma_start3A, %dma_start3A_0, %dma_start3A_1] : memref<201x256x768xf32, #tpu.memory_space<any>> -> memref<1x256x768xf32, #tpu.memory_space<any>>
    %dma_start3A_3 = tpu.memref_squeeze %dma_start3A_2 : memref<1x256x768xf32, #tpu.memory_space<any>> -> memref<256x768xf32, #tpu.memory_space<any>>
    tpu.enqueue_dma source(%dma_start3A_3 : memref<256x768xf32, #tpu.memory_space<any>>) target(%arg11 : memref<256x768xf32, #tpu.memory_space<vmem>>) target_semaphore(%arg13 : memref<!tpu.dma_semaphore, #tpu.memory_space<semaphore_mem>>)
    %get3A = arith.constant 0 : index
    %get3A_4 = arith.constant 0 : index
    %get3A_5 = vector.load %arg1[%get3A, %get3A_4] : memref<256x768xf32, #tpu.memory_space<vmem>>, vector<256x768xf32>
    %get3A_6 = arith.constant 0 : index
    %get3A_7 = arith.constant 0 : index
    %get3A_8 = vector.load %arg4[%get3A_6, %get3A_7] : memref<768x768xf32, #tpu.memory_space<vmem>>, vector<768x768xf32>
    %dot_general3A = arith.constant dense<0.000000e+00> : vector<256x768xf32>
    %dot_general3A_9 = tpu.matmul %get3A_5, %get3A_8, %dot_general3A {dimension_numbers = #tpu.dot_dimension_numbers<[1], [1], [0], [0], [0, 0, 1, 0], [], []>, transpose_lhs_hint = false} : vector<256x768xf32>, vector<768x768xf32>, vector<256x768xf32> -> vector<256x768xf32>
    %get3A_10 = arith.constant 0 : index
    %get3A_11 = arith.constant 0 : index
    %get3A_12 = vector.load %arg5[%get3A_10, %get3A_11] : memref<1x768xf32, #tpu.memory_space<vmem>>, vector<1x768xf32>
    %add3A = vector.broadcast %get3A_12 : vector<1x768xf32> to vector<256x768xf32>
    %add3A_13 = arith.addf %dot_general3A_9, %add3A : vector<256x768xf32>
    %mul3A = arith.mulf %add3A_13, %get3A_5 : vector<256x768xf32>
    %reduce_sum3A = arith.constant dense<0.000000e+00> : vector<256xf32>
    %reduce_sum3A_14 = vector.multi_reduction <add>, %mul3A, %reduce_sum3A [1] : vector<256x768xf32> to vector<256xf32>
    %broadcast_in_dim3A = vector.shape_cast %reduce_sum3A_14 : vector<256xf32> to vector<256x1xf32>
    %get3A_15 = arith.constant 0 : index
    %get3A_16 = arith.constant 0 : index
    %get3A_17 = vector.load %arg6[%get3A_15, %get3A_16] : memref<256x1xi32, #tpu.memory_space<vmem>>, vector<256x1xi32>
    %get3A_18 = arith.constant 0 : index
    %get3A_19 = arith.constant 0 : index
    %get3A_20 = vector.load %arg7[%get3A_18, %get3A_19] : memref<1x256xi32, #tpu.memory_space<vmem>>, vector<1x256xi32>
    %eq3A = vector.broadcast %get3A_17 : vector<256x1xi32> to vector<256x256xi32>
    %eq3A_21 = vector.broadcast %get3A_20 : vector<1x256xi32> to vector<256x256xi32>
    %eq3A_22 = arith.cmpi eq, %eq3A, %eq3A_21 : vector<256x256xi32>
    %convert_element_type3A = arith.extui %eq3A_22 : vector<256x256xi1> to vector<256x256xi32>
    %convert_element_type3A_23 = arith.sitofp %convert_element_type3A : vector<256x256xi32> to vector<256x256xf32>
    %iota3A = tpu.iota {dimensions = array<i32: 0>} : vector<256x256xi32>
    %iota3A_24 = tpu.iota {dimensions = array<i32: 1>} : vector<256x256xi32>
    %gt3A = arith.cmpi sgt, %iota3A, %iota3A_24 : vector<256x256xi32>
    %convert_element_type3A_25 = arith.extui %gt3A : vector<256x256xi1> to vector<256x256xi32>
    %convert_element_type3A_26 = arith.sitofp %convert_element_type3A_25 : vector<256x256xi32> to vector<256x256xf32>
    %dot_general3A_27 = arith.constant dense<0.000000e+00> : vector<256x256xf32>
    %dot_general3A_28 = tpu.matmul %convert_element_type3A_23, %convert_element_type3A_26, %dot_general3A_27 {dimension_numbers = #tpu.dot_dimension_numbers<[1], [0], [0], [1], [0, 0, 1, 1], [], []>, transpose_lhs_hint = false} : vector<256x256xf32>, vector<256x256xf32>, vector<256x256xf32> -> vector<256x256xf32>
    %eq3A_29 = arith.constant 0.000000e+00 : f32
    %eq3A_30 = vector.broadcast %eq3A_29 : f32 to vector<256x256xf32>
    %eq3A_31 = arith.cmpf oeq, %dot_general3A_28, %eq3A_30 : vector<256x256xf32>
    %convert_element_type3A_32 = arith.extui %eq3A_31 : vector<256x256xi1> to vector<256x256xi32>
    %convert_element_type3A_33 = arith.sitofp %convert_element_type3A_32 : vector<256x256xi32> to vector<256x256xf32>
    %mul3A_34 = arith.mulf %convert_element_type3A_23, %convert_element_type3A_33 : vector<256x256xf32>
    %dma_wait3A = arith.constant 0 : i32
    %dma_wait3A_35 = arith.constant 0 : i32
    %dma_wait3A_36 = arith.constant 0 : i32
    %dma_wait3A_37 = tpu.memref_slice %arg9[%dma_wait3A, %dma_wait3A_35, %dma_wait3A_36] : memref<201x256x768xf32, #tpu.memory_space<any>> -> memref<1x256x768xf32, #tpu.memory_space<any>>
    %dma_wait3A_38 = tpu.memref_squeeze %dma_wait3A_37 : memref<1x256x768xf32, #tpu.memory_space<any>> -> memref<256x768xf32, #tpu.memory_space<any>>
    tpu.wait_dma2 semaphore(%arg13 : memref<!tpu.dma_semaphore, #tpu.memory_space<semaphore_mem>>) src(%dma_wait3A_38 : memref<256x768xf32, #tpu.memory_space<any>>) dst(%arg11 : memref<256x768xf32, #tpu.memory_space<vmem>>)
    %get3A_39 = arith.constant 0 : index
    %get3A_40 = arith.constant 0 : index
    %get3A_41 = vector.load %arg11[%get3A_39, %get3A_40] : memref<256x768xf32, #tpu.memory_space<vmem>>, vector<256x768xf32>
    %get3A_42 = arith.constant 0 : index
    %get3A_43 = arith.constant 0 : index
    %get3A_44 = vector.load %arg2[%get3A_42, %get3A_43] : memref<768x768xf32, #tpu.memory_space<vmem>>, vector<768x768xf32>
    %dot_general3A_45 = arith.constant dense<0.000000e+00> : vector<256x768xf32>
    %dot_general3A_46 = tpu.matmul %get3A_41, %get3A_44, %dot_general3A_45 {dimension_numbers = #tpu.dot_dimension_numbers<[1], [1], [0], [0], [0, 0, 1, 0], [], []>, transpose_lhs_hint = false} : vector<256x768xf32>, vector<768x768xf32>, vector<256x768xf32> -> vector<256x768xf32>
    %get3A_47 = arith.constant 0 : index
    %get3A_48 = arith.constant 0 : index
    %get3A_49 = vector.load %arg3[%get3A_47, %get3A_48] : memref<1x768xf32, #tpu.memory_space<vmem>>, vector<1x768xf32>
    %add3A_50 = vector.broadcast %get3A_49 : vector<1x768xf32> to vector<256x768xf32>
    %add3A_51 = arith.addf %dot_general3A_46, %add3A_50 : vector<256x768xf32>
    %mul3A_52 = arith.mulf %get3A_41, %add3A_51 : vector<256x768xf32>
    %reduce_sum3A_53 = arith.constant dense<0.000000e+00> : vector<256xf32>
    %reduce_sum3A_54 = vector.multi_reduction <add>, %mul3A_52, %reduce_sum3A_53 [1] : vector<256x768xf32> to vector<256xf32>
    %broadcast_in_dim3A_55 = vector.shape_cast %reduce_sum3A_54 : vector<256xf32> to vector<256x1xf32>
    %mul3A_56 = arith.mulf %get3A_5, %get3A_41 : vector<256x768xf32>
    %reduce_sum3A_57 = arith.constant dense<0.000000e+00> : vector<256xf32>
    %reduce_sum3A_58 = vector.multi_reduction <add>, %mul3A_56, %reduce_sum3A_57 [1] : vector<256x768xf32> to vector<256xf32>
    %broadcast_in_dim3A_59 = vector.shape_cast %reduce_sum3A_58 : vector<256xf32> to vector<256x1xf32>
    %max3A = arith.maximumf %broadcast_in_dim3A_55, %broadcast_in_dim3A_59 : vector<256x1xf32>
    %sub3A = arith.subf %broadcast_in_dim3A_55, %max3A : vector<256x1xf32>
    %exp3A = math.exp %sub3A : vector<256x1xf32>
    %sub3A_60 = arith.subf %broadcast_in_dim3A_59, %max3A : vector<256x1xf32>
    %exp3A_61 = math.exp %sub3A_60 : vector<256x1xf32>
    %add3A_62 = arith.addf %exp3A, %exp3A_61 : vector<256x1xf32>
    %div3A = arith.divf %exp3A, %add3A_62 : vector<256x1xf32>
    %mul3A_63 = vector.broadcast %div3A : vector<256x1xf32> to vector<256x768xf32>
    %mul3A_64 = arith.mulf %mul3A_63, %get3A_41 : vector<256x768xf32>
    %div3A_65 = arith.divf %exp3A_61, %add3A_62 : vector<256x1xf32>
    %mul3A_66 = vector.broadcast %div3A_65 : vector<256x1xf32> to vector<256x768xf32>
    %mul3A_67 = arith.mulf %mul3A_66, %get3A_5 : vector<256x768xf32>
    %add3A_68 = arith.addf %mul3A_64, %mul3A_67 : vector<256x768xf32>
    %swap3A = arith.constant 0 : index
    %swap3A_69 = arith.constant 0 : index
    %swap3A_70 = vector.load %arg12[%swap3A, %swap3A_69] : memref<256x768xf32, #tpu.memory_space<vmem>>, vector<256x768xf32>
    tpu.vector_store %arg12[%swap3A, %swap3A_69], %add3A_68 {strides = array<i32>} : memref<256x768xf32, #tpu.memory_space<vmem>>, vector<256x768xf32>,
    %dma_start3A_71 = arith.constant 0 : i32
    %dma_start3A_72 = arith.constant 0 : i32
    %dma_start3A_73 = arith.constant 0 : i32
    %dma_start3A_74 = tpu.memref_slice %arg9[%dma_start3A_71, %dma_start3A_72, %dma_start3A_73] : memref<201x256x768xf32, #tpu.memory_space<any>> -> memref<1x256x768xf32, #tpu.memory_space<any>>
    %dma_start3A_75 = tpu.memref_squeeze %dma_start3A_74 : memref<1x256x768xf32, #tpu.memory_space<any>> -> memref<256x768xf32, #tpu.memory_space<any>>
    tpu.enqueue_dma source(%arg12 : memref<256x768xf32, #tpu.memory_space<vmem>>) target(%dma_start3A_75 : memref<256x768xf32, #tpu.memory_space<any>>) target_semaphore(%arg14 : memref<!tpu.dma_semaphore, #tpu.memory_space<semaphore_mem>>)
    %max3A_76 = arith.maximumf %broadcast_in_dim3A, %broadcast_in_dim3A_59 : vector<256x1xf32>
    %sub3A_77 = arith.subf %broadcast_in_dim3A, %max3A_76 : vector<256x1xf32>
    %exp3A_78 = math.exp %sub3A_77 : vector<256x1xf32>
    %sub3A_79 = arith.subf %broadcast_in_dim3A_59, %max3A_76 : vector<256x1xf32>
    %exp3A_80 = math.exp %sub3A_79 : vector<256x1xf32>
    %add3A_81 = arith.addf %exp3A_78, %exp3A_80 : vector<256x1xf32>
    %div3A_82 = arith.divf %exp3A_78, %add3A_81 : vector<256x1xf32>
    %mul3A_83 = vector.broadcast %div3A_82 : vector<256x1xf32> to vector<256x768xf32>
    %mul3A_84 = arith.mulf %mul3A_83, %get3A_5 : vector<256x768xf32>
    %div3A_85 = arith.divf %exp3A_80, %add3A_81 : vector<256x1xf32>
    %mul3A_86 = vector.broadcast %div3A_85 : vector<256x1xf32> to vector<256x768xf32>
    %mul3A_87 = arith.mulf %mul3A_86, %get3A_41 : vector<256x768xf32>
    %add3A_88 = arith.addf %mul3A_84, %mul3A_87 : vector<256x768xf32>
    %dot_general3A_89 = arith.constant dense<0.000000e+00> : vector<256x768xf32>
    %dot_general3A_90 = tpu.matmul %mul3A_34, %add3A_88, %dot_general3A_89 {dimension_numbers = #tpu.dot_dimension_numbers<[1], [0], [0], [1], [0, 0, 1, 1], [], []>, transpose_lhs_hint = false} : vector<256x256xf32>, vector<256x768xf32>, vector<256x768xf32> -> vector<256x768xf32>
    %swap3A_91 = arith.constant 0 : index
    %swap3A_92 = arith.constant 0 : index
    %swap3A_93 = vector.load %arg10[%swap3A_91, %swap3A_92] : memref<256x768xf32, #tpu.memory_space<vmem>>, vector<256x768xf32>
    tpu.vector_store %arg10[%swap3A_91, %swap3A_92], %dot_general3A_90 {strides = array<i32>} : memref<256x768xf32, #tpu.memory_space<vmem>>, vector<256x768xf32>,
    %dma_wait3A_94 = arith.constant 0 : i32
    %dma_wait3A_95 = arith.constant 0 : i32
    %dma_wait3A_96 = arith.constant 0 : i32
    %dma_wait3A_97 = tpu.memref_slice %arg9[%dma_wait3A_94, %dma_wait3A_95, %dma_wait3A_96] : memref<201x256x768xf32, #tpu.memory_space<any>> -> memref<1x256x768xf32, #tpu.memory_space<any>>
    %dma_wait3A_98 = tpu.memref_squeeze %dma_wait3A_97 : memref<1x256x768xf32, #tpu.memory_space<any>> -> memref<256x768xf32, #tpu.memory_space<any>>
    tpu.wait_dma2 semaphore(%arg14 : memref<!tpu.dma_semaphore, #tpu.memory_space<semaphore_mem>>) src(%arg12 : memref<256x768xf32, #tpu.memory_space<vmem>>) dst(%dma_wait3A_98 : memref<256x768xf32, #tpu.memory_space<any>>)
    return
  }
  func.func @transform_0(%arg0: i32) -> (i32, i32) {
    %c0_i32 = arith.constant 0 : i32
    %c0_i32_0 = arith.constant 0 : i32
    %c0_i32_1 = arith.constant 0 : i32
    return %c0_i32, %c0_i32_0 : i32, i32
  }
  func.func @transform_1(%arg0: i32) -> (i32, i32) {
    %c0_i32 = arith.constant 0 : i32
    %c0_i32_0 = arith.constant 0 : i32
    %c0_i32_1 = arith.constant 0 : i32
    return %c0_i32, %c0_i32_0 : i32, i32
  }
  func.func @transform_2(%arg0: i32) -> (i32, i32) {
    %c0_i32 = arith.constant 0 : i32
    %c0_i32_0 = arith.constant 0 : i32
    %c0_i32_1 = arith.constant 0 : i32
    return %c0_i32, %c0_i32_0 : i32, i32
  }
  func.func @transform_3(%arg0: i32) -> (i32, i32) {
    %c0_i32 = arith.constant 0 : i32
    %c0_i32_0 = arith.constant 0 : i32
    %c0_i32_1 = arith.constant 0 : i32
    return %c0_i32, %c0_i32_0 : i32, i32
  }
  func.func @transform_4(%arg0: i32) -> (i32, i32) {
    %c0_i32 = arith.constant 0 : i32
    %c0_i32_0 = arith.constant 0 : i32
    %c0_i32_1 = arith.constant 0 : i32
    return %c0_i32, %c0_i32_0 : i32, i32
  }
  func.func @transform_5(%arg0: i32) -> (i32, i32) {
    %c0_i32 = arith.constant 0 : i32
    %c0_i32_0 = arith.constant 0 : i32
    %c0_i32_1 = arith.constant 0 : i32
    return %c0_i32, %c0_i32_0 : i32, i32
  }
  func.func @transform_6(%arg0: i32) -> (i32, i32) {
    %c0_i32 = arith.constant 0 : i32
    %c0_i32_0 = arith.constant 0 : i32
    %c0_i32_1 = arith.constant 0 : i32
    return %c0_i32, %c0_i32_0 : i32, i32
  }
  func.func @transform_9(%arg0: i32) -> (i32, i32) {
    %c0_i32 = arith.constant 0 : i32
    %c0_i32_0 = arith.constant 0 : i32
    %c0_i32_1 = arith.constant 0 : i32
    return %c0_i32, %c0_i32_0 : i32, i32
  }
}

</mosaic_0001>

<sc_bundles>
// kernel: _.3.cloned.1.call-start
scs
__scs_entry_jumppad:
0x0: {  	(pc) =	sbr.rel $0x88, $3  }
0x1: {  	(tag) =	ssettag $0x0;
	lr =	simm.s32 $0x1  }
0x2: {  	[smem:$0x3F9A] =	sst lr;
	_ =	strace $0xD0000000  }
0x3: {  	_ = 	snop  }
0x4: {  	_ = 	snop  }
0x5: {  	_ = 	snop  }
0x6: {  	_ = 	snop  }
0x7: {  	_ = 	snop  }
__scs_overlays_trampoline_lowered:
0x8: {  	[smem:$0x3FA9] =	sst s0  }
0x9: {  	[smem:$0x3FAA] =	sst s1  }
0xa: {  	[smem:$0x3FAB] =	sst s2  }
0xb: {  	[smem:$0x3FAC] =	sst s3  }
0xc: {  	[smem:$0x3FAD] =	sst s4  }
0xd: {  	[smem:$0x3FAE] =	sst s5  }
0xe: {  	[smem:$0x3FAF] =	sst s6  }
0xf: {  	[smem:$0x3FB0] =	sst s7  }
0x10: {  	[smem:$0x3FB1] =	sst s8  }
0x11: {  	[smem:$0x3FB2] =	sst s9;
	s0 =	simm.s32 @!p0 $0x0  }
0x12: {  	s1 =	sld [smem:$0x3F98];
	s0 =	simm.s32 @p0 $0x1  }
0x13: {  	[smem:$0x3FB3] =	sst s0;
	s0 =	simm.s32 @!p1 $0x0  }
0x14: {  	s2 =	sld [smem:$0x3F97];
	s0 =	simm.s32 @p1 $0x1  }
0x15: {  	[smem:$0x3FB4] =	sst s0;
	s0 =	simm.s32 @!p2 $0x0  }
0x16: {  	s3 =	sld [smem:$0x3FDB];
	s0 =	simm.s32 @p2 $0x1  }
0x17: {  	s4 =	simm.s32 $0x1BF5;
	[smem:$0x3FB6] =	sst s0  }
0x18: {  	s0 =	sld [smem:$0x3F99];
	_ =	swait.ge [sflag:s4], $0x0  }
0x19: {  	s7 =	sld [smem:$0x3F9A]  }
0x1a: {  	s8 =	sadd.s32 $0xFFFFE003, lr  }
0x1b: {  	s9 =	sadd.s32 $0xFFFFFEF7, lr;
	s5 =	simm.s32 $0xFFFFFFFF;
	p2 =	slt.u32 s8, $0xFFFFF086  }
0x1c: {  	p1 =	slt.u32 s9, $0xF7A;
	s5 =	simm.s32 @!p2 $0x0  }
0x1d: {  	s5 =	simm.s32 @p1 $0x1;
	p0 =	seq.s32 s7, s2  }
0x1e: {  	s7 =	smul.u32 @!p0 $0xF7A, s2;
	p2 =	seq.s32 @!p0 s5, $0x0  }
0x1f: {  	s9 =	smul.u32 $0xF7A, s1;
	s8 =	simm.s32 @!p0 $0x1BF5;
	p2 =	por !p2, p0  }
0x20: {  	[sflag:s8] =	ssyncset.s32 @!p0 $0xFFFFF086;
	s6 =	sadd.s32 @!p0 s3, s7;
	s7 =	simm.s32 @!p0 $0x108  }
0x21: {  	s3 =	sadd.s32 s3, s9;
	s6 =	sadd.s32 @!p0 $0x88, s6;
	s7 =	simm.s32 @p2 $0x1082  }
0x22: {  	[simem:s7], [sflag:s8] =	dma.local @!p0 [hbm:s6], $0xF7A  }
0x23: {  	s9 =	sor.u32 $0xD0000000, s2;
	s6 =	simm.s32 $0x108;
	_ =	swait.ge @!p0 [sflag:s8], $0x0  }
0x24: {  	s3 =	sadd.s32 $0x88, s3;
	s6 =	simm.s32 @!p1 $0x1082;
	[sflag:s4] =	ssyncset.s32 $0xFFFFF086  }
0x25: {  	[simem:s6], [sflag:s4] =	dma.local [hbm:s3], $0xF7A  }
0x26: {  	[smem:$0x3F9A] =	sst s1;
	(tag) =	ssettag s2;
	_ =	strace s9  }
0x27: {  	s1 =	sld [smem:$0x3FAA]  }
0x28: {  	s2 =	sld [smem:$0x3FAB]  }
0x29: {  	s4 =	sld [smem:$0x3FAD]  }
0x2a: {  	p0 =	seq.s32 s5, $0x0;
	s5 =	sld [smem:$0x3FAE]  }
0x2b: {  	s6 =	sld [smem:$0x3FAF]  }
0x2c: {  	s7 =	sld [smem:$0x3FB0]  }
0x2d: {  	s3 =	simm.s32 $0x108;
	s8 =	sld [smem:$0x3FB1]  }
0x2e: {  	s3 =	simm.s32 @!p0 $0x1082;
	s9 =	sld [smem:$0x3FB2]  }
0x2f: {  	lr =	sadd.s32 s0, s3;
	s0 =	sld [smem:$0x3FA9]  }
0x30: {  	s3 =	sld [smem:$0x3FAC]  }
0x31: {  	[smem:$0x3FB5] =	sst s10  }
0x32: {  	s10 =	sld [smem:$0x3FB3];
	_ =	sdelay $0x3  }
0x33: {  	p0 =	seq.s32 s10, $0x1;
	s10 =	sld [smem:$0x3FB5];
	_ =	sdelay $0x3  }
0x34: {  	[smem:$0x3FB5] =	sst s10  }
0x35: {  	s10 =	sld [smem:$0x3FB4];
	_ =	sdelay $0x3  }
0x36: {  	p1 =	seq.s32 s10, $0x1;
	s10 =	sld [smem:$0x3FB5];
	_ =	sdelay $0x3  }
0x37: {  	[smem:$0x3FB5] =	sst s10  }
0x38: {  	s10 =	sld [smem:$0x3FB6]  }
0x39: {  	_ = 	snop;
	(pc) =	sbr.ind lr, $3  }
0x3a: {  	_ = 	snop  }
0x3b: {  	_ = 	snop  }
0x3c: {  	p2 =	seq.s32 s10, $0x1;
	s10 =	sld [smem:$0x3FB5]  }
0x3d: {  	_ =	shalt  }
0x3e: {  	_ =	shalt  }
0x3f: {  	_ =	shalt  }
0x40: {  	_ =	shalt  }
0x41: {  	_ =	shalt  }
0x42: {  	_ =	shalt  }
0x43: {  	_ =	shalt  }
0x44: {  	_ =	shalt  }
0x45: {  	_ =	shalt  }
0x46: {  	_ =	shalt  }
0x47: {  	_ =	shalt  }
0x48: {  	_ =	shalt  }
0x49: {  	_ =	shalt  }
0x4a: {  	_ =	shalt  }
0x4b: {  	_ =	shalt  }
0x4c: {  	_ =	shalt  }
0x4d: {  	_ =	shalt  }
0x4e: {  	_ =	shalt  }
0x4f: {  	_ =	shalt  }
0x50: {  	_ =	shalt  }
0x51: {  	_ =	shalt  }
0x52: {  	_ =	shalt  }
0x53: {  	_ =	shalt  }
0x54: {  	_ =	shalt  }
0x55: {  	_ =	shalt  }
0x56: {  	_ =	shalt  }
0x57: {  	_ =	shalt  }
0x58: {  	_ =	shalt  }
0x59: {  	_ =	shalt  }
0x5a: {  	_ =	shalt  }
0x5b: {  	_ =	shalt  }
0x5c: {  	_ =	shalt  }
0x5d: {  	_ =	shalt  }
0x5e: {  	_ =	shalt  }
0x5f: {  	_ =	shalt  }
0x60: {  	_ =	shalt  }
0x61: {  	_ =	shalt  }
0x62: {  	_ =	shalt  }
0x63: {  	_ =	shalt  }
0x64: {  	_ =	shalt  }
0x65: {  	_ =	shalt  }
0x66: {  	_ =	shalt  }
0x67: {  	_ =	shalt  }
0x68: {  	_ =	shalt  }
0x69: {  	_ =	shalt  }
0x6a: {  	_ =	shalt  }
0x6b: {  	_ =	shalt  }
0x6c: {  	_ =	shalt  }
0x6d: {  	_ =	shalt  }
0x6e: {  	_ =	shalt  }
0x6f: {  	_ =	shalt  }
0x70: {  	_ =	shalt  }
0x71: {  	_ =	shalt  }
0x72: {  	_ =	shalt  }
0x73: {  	_ =	shalt  }
0x74: {  	_ =	shalt  }
0x75: {  	_ =	shalt  }
0x76: {  	_ =	shalt  }
0x77: {  	_ =	shalt  }
0x78: {  	_ =	shalt  }
0x79: {  	_ =	shalt  }
0x7a: {  	_ =	shalt  }
0x7b: {  	_ =	shalt  }
0x7c: {  	_ =	shalt  }
0x7d: {  	_ =	shalt  }
0x7e: {  	_ =	shalt  }
0x7f: {  	_ =	shalt  }
0x80: {  	_ =	shalt  }
0x81: {  	_ =	shalt  }
0x82: {  	_ =	shalt  }
0x83: {  	_ =	shalt  }
0x84: {  	_ =	shalt  }
0x85: {  	_ =	shalt  }
0x86: {  	_ =	shalt  }
0x87: {  	_ =	shalt  }
.Lfunc_end0:
.L_simem_size_0:
called_computation.1_lowered:
.L_overlay_start_0:
0x88: {  	s2 =	sld [smem:$0x3FD9]  }
0x89: {  	s3 =	sld [smem:$0x3FFE];
	_ =	sdelay $0x1  }
0x8a: {  	s1 =	srdreg.scid  }
0x8b: {  	s0 =	sand.u32 $0x1, s1  }
0x8c: {  	s14 =	sshll.u32 s0, $0xA;
	s2 =	sadd.s32 s3, s2  }
0x8d: {  	s2 =	sadd.s32 s2, s14  }
0x8e: {  	[smem:$0x3FC1] =	sst s2  }
0x8f: {  	_ = 	snop  }
0x90: {  	s2 =	sld [smem:$0x3FD0];
	_ =	sdelay $0x2  }
0x91: {  	s15 =	simm.s32 $0xA;
	s4 =	simm.s32 $0x10  }
0x92: {  	[smem:s4], [sflag:s15] =	dma.local [hbm:s2], $0x1  }
0x93: {  	_ =	swait.eq [sflag:s15], $0x1  }
0x94: {  	[sflag:s15] =	ssyncset.done $0x0  }
0x95: {  	[sflag:s15] =	ssyncadd.s32 $0xFFFFFFFF  }
0x96: {  	s16 =	sld [smem:$0x11];
	(tm) =	ssettm $0x1  }
0x97: {  	s17 =	sld [smem:$0x3FFB];
	_ =	sdelay $0x3  }
0x98: {  	_ =	strace s17  }
0x99: {  	s3 =	sld [smem:$0x3FFC];
	_ =	sdelay $0x3  }
0x9a: {  	_ =	strace s3  }
0x9b: {  	s3 =	sld [smem:$0x3FFD];
	_ =	sdelay $0x3  }
0x9c: {  	_ =	strace s3  }
0x9d: {  	_ =	strace $0x8FFFFFFF  }
0x9e: {  	s18 =	sld [smem:$0x3FDB];
	_ =	sdelay $0x1  }
0x9f: {  	s19 =	simm.s32 $_scs_section_size  }
0xa0: {  	s5 =	simm.s32 $_size__tile_overlayer_lowered;
	s6 =	simm.s32 $_tile_overlayer_lowered  }
0xa1: {  	s22 =	simm.s32 $0x1BFF;
	s21 =	sshll.u32 s6, $0x1;
	s3 =	sadd.s32 s19, s18  }
0xa2: {  	s7 =	simm.s32 $0x0;
	s20 =	sshll.u32 s5, $0x1;
	s5 =	sadd.s32 s21, s3  }
0xa3: {  	[timem:s7], [sflag:s22] =	dma.local [hbm:s5], s20  }
0xa4: {  	_ =	swait.ge [sflag:s22], s20  }
0xa5: {  	s4 =	ssub.s32 $0x0, s20;
	[sflag:s22] =	ssyncset.done $0x0  }
0xa6: {  	[sflag:s22] =	ssyncadd.s32 s4;
	_ =	sdelay $0x1  }
0xa7: {  	s23 =	simm.s32 $0x1B8B  }
0xa8: {  	_ =	swait.ge [sflag:s23], $0x1  }
0xa9: {  	[sflag:s23] =	ssyncset.done $0x0  }
0xaa: {  	s25 =	simm.s32 $0x1B8E;
	s24 =	sld [smem:$0x3FFE];
	[sflag:s23] =	ssyncadd.s32 $0xFFFFFFFF  }
0xab: {  	s26 =	simm.s32 $execute0_lowered;
	[smem:$0x3FD2] =	sst s25  }
0xac: {  	s5 =	sshll.u32 s26, $0x1;
	_ =	strace $0x80000049;
	[dreg:$0x1] =	wrdreg $0xFFFFFFFF  }
0xad: {  	s28 =	simm.s32 $_size_execute0_lowered;
	s3 =	sadd.s32 s3, s5;
	[dreg:$0x0] =	wrdreg $0x0  }
0xae: {  	s5 =	sshll.u32 s28, $0x1;
	[dreg:$0x2] =	wrdreg s3  }
0xaf: {  	[dreg:$0x3] =	wrdreg s5  }
0xb0: {  	[dreg:$0x4] =	wrdreg $0xC0  }
0xb1: {  	_ =	task [dreg:s7], $0x5FFFF  }
0xb2: {  	[dreg:$0x1] =	wrdreg $0xFFFFFFFF  }
0xb3: {  	[dreg:$0x0] =	wrdreg $0x60  }
0xb4: {  	[dreg:$0x2] =	wrdreg s24  }
0xb5: {  	[dreg:$0x3] =	wrdreg s16  }
0xb6: {  	[dreg:$0x4] =	wrdreg $0x9  }
0xb7: {  	_ =	task.clear_ibuf [dreg:s7], $0x5FFFF;
	_ =	strace $0x90000049  }
0xb8: {  	s29 =	simm.s32 $0x9;
	_ =	strace $0x8000004B  }
0xb9: {  	_ =	swait.ge [sflag:s29], $0x1  }
0xba: {  	[sflag:s29] =	ssyncadd.s32 $0xFFFFFFFF  }
0xbb: {  	_ =	strace $0x9000004B  }
0xbc: {  	_ =	sfence  }
0xbd: {  	s30 =	sld [smem:$0x0];
	_ =	sdelay $0x2  }
0xbe: {  	s31 =	sshll.u32 s1, $0xD;
	s1 =	sshrl.u32 s1, $0x2  }
0xbf: {  	s3 =	sand.u32 $0x4000, s31;
	s1 =	sadd.s32 s1, s30  }
0xc0: {  	s0 =	sor.u32 s3, s0;
	s1 =	sshll.u32 s1, $0x11  }
0xc1: {  	s0 =	sor.u32 s1, s0  }
0xc2: {  	s0 =	sadd.s32 $0x8F2B, s0  }
0xc3: {  	[sflag:s0] =	ssyncadd.remote.s32 $0x1  }
0xc4: {  	_ =	sfence.sel $0xFFFF  }
0xc5: {  	[dreg:$0x0] =	wrdreg $0xFFFFFFFF;
	(pc) =	sbr.abs _section_cstart, $3  }
0xc6: {  	[dreg:$0x1] =	wrdreg $0xFFFFFFFF  }
0xc7: {  	_ =	task.clear_ibuf [dreg:s7], $0x2FFFF;
	_ =	strace $0x9FFFFFFF  }
0xc8: {  	(tm) =	ssettm $0x7FFFFFFF  }
0xc9: {  	_ =	shalt  }
tec
execute0_lowered:
.L_overlay_start_1:
0x0: {  	(tag) =	ssettag $0x1  }
0x1: {  	s6 =	rddreg [dreg:$0x0]  }
0x2: {  	s2 =	rddreg [dreg:$0x1]  }
0x3: {  	s4 =	srdreg.scid;
	s1 =	stileid.u32  }
0x4: {  	s3 =	simm.s32 $0x0;
	s8 =	sand.u32 $0x1, s4;
	s31 =	sshll.u32 s1, $0x1  }
0x5: {  	[smem:$0x7FF] =	sst s3;
	s4 =	sor.u32 s8, s31  }
0x6: {  	s0 =	rddreg [dreg:$0x2];
	_ =	strace $0x8000004A;
	s5 =	sadd.s32 s4, s6  }
0x7: {  	s7 =	smul.u32 $0x300, s4;
	s4 =	sadd.s32 $0x1E00, s5;
	s5 =	simm.s32 $0x2  }
0x8: {  	[tilespmem:s3], [sflag:$0x2] =	stream.linear.gather [hbm4b:s4+s3], $0x8, $0x38;
	[tilespmem:$0x1880] =	vst v63  }
0x9: {  	_ =	swait.ge [sflag:s5], $0x8  }
0xa: {  	s6 =	sadd.s32 s7, s6;
	[sflag:s5] =	ssyncset.done $0x0  }
0xb: {  	s7 =	simm.s32 $0x80;
	s6 =	sadd.s32 $0x2000, s6;
	[sflag:s5] =	ssyncadd.s32 $0xFFFFFFF8  }
0xc: {  	[tilespmem:s7], [sflag:$0x2] =	stream.linear.gather [hbm4b:s6+s3], $0x1800, $0x38;
	[tilespmem:$0x1880] =	vst v63  }
0xd: {  	_ =	swait.ge [sflag:s5], $0x1800  }
0xe: {  	[sflag:s5] =	ssyncset.done $0x0  }
0xf: {  	[sflag:s5] =	ssyncadd.s32 $0xFFFFE800  }
0x10: {  	v0 =	vld.msk [tilespmem:$0x0], $0xff;
	_ =	sdelay $0x4  }
0x11: {  	v1 =	vshrl.u32 v0, $0x3  }
0x12: {  	v1 =	vmul.u32 $0x30, v1  }
0x13: {  	v2 =	vlaneseq.u32;
	v3 =	vand.u32 $0x7, v0  }
0x14: {  	v0 =	vand.u32 $0x7, v2;
	v2 =	vshrl.u32 v2, $0x3;
	v3 =	vor.u32 v3, v1  }
0x15: {  	v1 =	vmul.u32 $0x8, v2;
	v2 =	vperm.xlane v3, v0;
	_ =	sdelay $0x1  }
0x16: {  	v2 =	vadd.s32 v1, v2  }
0x17: {  	s8 =	ssub.s32 $0x2, s8  }
0x18: {  	s9 =	sshrl.u32 s8, $0x1  }
0x19: {  	s11 =	ssub.s32 s8, s9  }
0x1a: {  	vm0 =	vmmov $0xffff;
	s13 =	smax.u32 s11, $0x1  }
0x1b: {  	[hbm4b:s2+s3] =	stream.indirect_vreg.scatter [tilespmem:s7], [sflag:$0x1], $0x80, v2, vm0, $0xb8;
	[tilespmem:$0x1880] =	vst v63  }
0x1c: {  	s10 =	simm.s32 $0x880;
	s8 =	sadd.s32 $0x100, s2;
	p0 =	sne.s32 s13, $0x1  }
0x1d: {  	[hbm4b:s8+s3] =	stream.indirect_vreg.scatter [tilespmem:s10], [sflag:$0x1], $0x80, v2, vm0, $0xb8;
	[tilespmem:$0x1880] =	vst v63  }
.Ltmp0:
0x1e: {  	_ = 	snop;
	(pc) =	sbr.rel @!p0 .LBB2_2-.Ltmp0, $4  }
0x1f: {  	s12 =	simm.s32 $0x1080;
	s9 =	sadd.s32 $0x200, s2;
	s11 =	simm.s32 $0x1  }
0x20: {  	[hbm4b:s9+s3] =	stream.indirect_vreg.scatter [tilespmem:s12], [sflag:$0x1], $0x80, v2, vm0, $0xb8;
	[tilespmem:$0x1880] =	vst v63  }
0x21: {  	_ =	swait.ge [sflag:s11], $0x1800  }
0x22: {  	s13 =	sadd.s32 $0xFFFFFFFF, s13;
	[sflag:s11] =	ssyncset.done $0x0  }
.LBB2_1:
0x23: {  	p0 =	sne.s32 s13, $0x1;
	s13 =	sadd.s32 $0xFFFFFFFF, s13;
	[sflag:s11] =	ssyncadd.s32 $0xFFFFE800  }
0x24: {  	_ = 	snop  }
0x25: {  	[tilespmem:s3], [sflag:$0x2] =	stream.linear.gather [hbm4b:s4+s3], $0x8, $0x38;
	[tilespmem:$0x1880] =	vst v63  }
0x26: {  	_ =	swait.ge [sflag:s5], $0x8  }
0x27: {  	[sflag:s5] =	ssyncset.done $0x0  }
0x28: {  	[sflag:s5] =	ssyncadd.s32 $0xFFFFFFF8  }
0x29: {  	[tilespmem:s7], [sflag:$0x2] =	stream.linear.gather [hbm4b:s6+s3], $0x1800, $0x38;
	[tilespmem:$0x1880] =	vst v63  }
0x2a: {  	_ =	swait.ge [sflag:s5], $0x1800  }
0x2b: {  	[sflag:s5] =	ssyncset.done $0x0  }
0x2c: {  	[sflag:s5] =	ssyncadd.s32 $0xFFFFE800  }
0x2d: {  	v2 =	vld.msk [tilespmem:$0x0], $0xff;
	_ =	sdelay $0x4  }
0x2e: {  	v3 =	vshrl.u32 v2, $0x3  }
0x2f: {  	v3 =	vmul.u32 $0x30, v3  }
0x30: {  	v2 =	vand.u32 $0x7, v2  }
0x31: {  	v2 =	vor.u32 v2, v3  }
0x32: {  	v2 =	vperm.xlane v2, v0;
	_ =	sdelay $0x1  }
0x33: {  	v2 =	vadd.s32 v1, v2;
	_ =	sdelay $0x4  }
0x34: {  	[hbm4b:s2+s3] =	stream.indirect_vreg.scatter [tilespmem:s7], [sflag:$0x1], $0x80, v2, vm0, $0xb8;
	[tilespmem:$0x1880] =	vst v63  }
0x35: {  	_ = 	snop  }
0x36: {  	[hbm4b:s8+s3] =	stream.indirect_vreg.scatter [tilespmem:s10], [sflag:$0x1], $0x80, v2, vm0, $0xb8;
	[tilespmem:$0x1880] =	vst v63  }
.Ltmp1:
0x37: {  	_ = 	snop;
	(pc) =	sbr.rel @p0 .LBB2_1-.Ltmp1, $4  }
0x38: {  	_ = 	snop  }
0x39: {  	[hbm4b:s9+s3] =	stream.indirect_vreg.scatter [tilespmem:s12], [sflag:$0x1], $0x80, v2, vm0, $0xb8;
	[tilespmem:$0x1880] =	vst v63  }
0x3a: {  	_ =	swait.ge [sflag:s11], $0x1800  }
0x3b: {  	[sflag:s11] =	ssyncset.done $0x0  }
.LBB2_2:
0x3c: {  	[sflag:s11] =	ssyncadd.s32 $0xFFFFE800  }
0x3d: {  	_ =	sfence.sel $0x180000  }
0x3e: {  	[bflag:$0x0] =	sbarrier.arrive $0xFFFF  }
0x3f: {  	p0 =	sne.s32 s1, $0x0;
	_ =	strace $0x9000004A  }
0x40: {  	s0 =	sadd.s32 @!p0 $0x100000, s0;
	[bflag:$0x2] =	sbarrier.arrive $0xFFFF  }
0x41: {  	[sflag:s0] =	ssyncadd.tile.s32 @!p0 $0x1;
	_ =	shalt  }
.Lfunc_end2:
_tile_overlayer_lowered:
.L_overlay_start_2:
0x42: {  	(tag) =	ssettag $0x2  }
0x43: {  	s0 =	rddreg [dreg:$0x0];
	s2 =	stileid.u32  }
0x44: {  	s1 =	rddreg [dreg:$0x1];
	p0 =	sne.s32 s2, $0x0  }
0x45: {  	s3 =	rddreg [dreg:$0x2];
	[bflag:$0x3] =	sbarrier.arrive $0xFFFF;
	s2 =	simm.s32 @!p0 $0x1C01  }
0x46: {  	[timem:s3], [sflag:s2] =	dma.local @!p0 [hbm:s0], s1  }
0x47: {  	s0 =	simm.s32 @!p0 $0x1  }
0x48: {  	_ =	swait.ge @!p0 [sflag:s0], s1  }
0x49: {  	s1 =	ssub.s32 @!p0 $0x0, s1;
	[sflag:s0] =	ssyncset.done @!p0 $0x0  }
0x4a: {  	[sflag:s0] =	ssyncadd.s32 @!p0 s1  }
0x4b: {  	[bflag:$0x3] =	sbarrier.arrive $0xFFFF  }
0x4c: {  	_ =	shalt  }

// kernel: kernel.4.cloned.1.call-start
scs
__scs_entry_jumppad:
0x0: {  	(pc) =	sbr.rel $0x88, $3  }
0x1: {  	(tag) =	ssettag $0x0;
	lr =	simm.s32 $0x1  }
0x2: {  	[smem:$0x3F9A] =	sst lr;
	_ =	strace $0xD0000000  }
0x3: {  	_ = 	snop  }
0x4: {  	_ = 	snop  }
0x5: {  	_ = 	snop  }
0x6: {  	_ = 	snop  }
0x7: {  	_ = 	snop  }
__scs_overlays_trampoline_lowered:
0x8: {  	[smem:$0x3FA9] =	sst s0  }
0x9: {  	[smem:$0x3FAA] =	sst s1  }
0xa: {  	[smem:$0x3FAB] =	sst s2  }
0xb: {  	[smem:$0x3FAC] =	sst s3  }
0xc: {  	[smem:$0x3FAD] =	sst s4  }
0xd: {  	[smem:$0x3FAE] =	sst s5  }
0xe: {  	[smem:$0x3FAF] =	sst s6  }
0xf: {  	[smem:$0x3FB0] =	sst s7  }
0x10: {  	[smem:$0x3FB1] =	sst s8  }
0x11: {  	[smem:$0x3FB2] =	sst s9;
	s0 =	simm.s32 @!p0 $0x0  }
0x12: {  	s1 =	sld [smem:$0x3F98];
	s0 =	simm.s32 @p0 $0x1  }
0x13: {  	[smem:$0x3FB3] =	sst s0;
	s0 =	simm.s32 @!p1 $0x0  }
0x14: {  	s2 =	sld [smem:$0x3F97];
	s0 =	simm.s32 @p1 $0x1  }
0x15: {  	[smem:$0x3FB4] =	sst s0;
	s0 =	simm.s32 @!p2 $0x0  }
0x16: {  	s3 =	sld [smem:$0x3FDB];
	s0 =	simm.s32 @p2 $0x1  }
0x17: {  	s4 =	simm.s32 $0x1BF5;
	[smem:$0x3FB6] =	sst s0  }
0x18: {  	s0 =	sld [smem:$0x3F99];
	_ =	swait.ge [sflag:s4], $0x0  }
0x19: {  	s7 =	sld [smem:$0x3F9A]  }
0x1a: {  	s8 =	sadd.s32 $0xFFFFE003, lr  }
0x1b: {  	s9 =	sadd.s32 $0xFFFFFEF7, lr;
	s5 =	simm.s32 $0xFFFFFFFF;
	p2 =	slt.u32 s8, $0xFFFFF086  }
0x1c: {  	p1 =	slt.u32 s9, $0xF7A;
	s5 =	simm.s32 @!p2 $0x0  }
0x1d: {  	s5 =	simm.s32 @p1 $0x1;
	p0 =	seq.s32 s7, s2  }
0x1e: {  	s7 =	smul.u32 @!p0 $0xF7A, s2;
	p2 =	seq.s32 @!p0 s5, $0x0  }
0x1f: {  	s9 =	smul.u32 $0xF7A, s1;
	s8 =	simm.s32 @!p0 $0x1BF5;
	p2 =	por !p2, p0  }
0x20: {  	[sflag:s8] =	ssyncset.s32 @!p0 $0xFFFFF086;
	s6 =	sadd.s32 @!p0 s3, s7;
	s7 =	simm.s32 @!p0 $0x108  }
0x21: {  	s3 =	sadd.s32 s3, s9;
	s6 =	sadd.s32 @!p0 $0x88, s6;
	s7 =	simm.s32 @p2 $0x1082  }
0x22: {  	[simem:s7], [sflag:s8] =	dma.local @!p0 [hbm:s6], $0xF7A  }
0x23: {  	s9 =	sor.u32 $0xD0000000, s2;
	s6 =	simm.s32 $0x108;
	_ =	swait.ge @!p0 [sflag:s8], $0x0  }
0x24: {  	s3 =	sadd.s32 $0x88, s3;
	s6 =	simm.s32 @!p1 $0x1082;
	[sflag:s4] =	ssyncset.s32 $0xFFFFF086  }
0x25: {  	[simem:s6], [sflag:s4] =	dma.local [hbm:s3], $0xF7A  }
0x26: {  	[smem:$0x3F9A] =	sst s1;
	(tag) =	ssettag s2;
	_ =	strace s9  }
0x27: {  	s1 =	sld [smem:$0x3FAA]  }
0x28: {  	s2 =	sld [smem:$0x3FAB]  }
0x29: {  	s4 =	sld [smem:$0x3FAD]  }
0x2a: {  	p0 =	seq.s32 s5, $0x0;
	s5 =	sld [smem:$0x3FAE]  }
0x2b: {  	s6 =	sld [smem:$0x3FAF]  }
0x2c: {  	s7 =	sld [smem:$0x3FB0]  }
0x2d: {  	s3 =	simm.s32 $0x108;
	s8 =	sld [smem:$0x3FB1]  }
0x2e: {  	s3 =	simm.s32 @!p0 $0x1082;
	s9 =	sld [smem:$0x3FB2]  }
0x2f: {  	lr =	sadd.s32 s0, s3;
	s0 =	sld [smem:$0x3FA9]  }
0x30: {  	s3 =	sld [smem:$0x3FAC]  }
0x31: {  	[smem:$0x3FB5] =	sst s10  }
0x32: {  	s10 =	sld [smem:$0x3FB3];
	_ =	sdelay $0x3  }
0x33: {  	p0 =	seq.s32 s10, $0x1;
	s10 =	sld [smem:$0x3FB5];
	_ =	sdelay $0x3  }
0x34: {  	[smem:$0x3FB5] =	sst s10  }
0x35: {  	s10 =	sld [smem:$0x3FB4];
	_ =	sdelay $0x3  }
0x36: {  	p1 =	seq.s32 s10, $0x1;
	s10 =	sld [smem:$0x3FB5];
	_ =	sdelay $0x3  }
0x37: {  	[smem:$0x3FB5] =	sst s10  }
0x38: {  	s10 =	sld [smem:$0x3FB6]  }
0x39: {  	_ = 	snop;
	(pc) =	sbr.ind lr, $3  }
0x3a: {  	_ = 	snop  }
0x3b: {  	_ = 	snop  }
0x3c: {  	p2 =	seq.s32 s10, $0x1;
	s10 =	sld [smem:$0x3FB5]  }
0x3d: {  	_ =	shalt  }
0x3e: {  	_ =	shalt  }
0x3f: {  	_ =	shalt  }
0x40: {  	_ =	shalt  }
0x41: {  	_ =	shalt  }
0x42: {  	_ =	shalt  }
0x43: {  	_ =	shalt  }
0x44: {  	_ =	shalt  }
0x45: {  	_ =	shalt  }
0x46: {  	_ =	shalt  }
0x47: {  	_ =	shalt  }
0x48: {  	_ =	shalt  }
0x49: {  	_ =	shalt  }
0x4a: {  	_ =	shalt  }
0x4b: {  	_ =	shalt  }
0x4c: {  	_ =	shalt  }
0x4d: {  	_ =	shalt  }
0x4e: {  	_ =	shalt  }
0x4f: {  	_ =	shalt  }
0x50: {  	_ =	shalt  }
0x51: {  	_ =	shalt  }
0x52: {  	_ =	shalt  }
0x53: {  	_ =	shalt  }
0x54: {  	_ =	shalt  }
0x55: {  	_ =	shalt  }
0x56: {  	_ =	shalt  }
0x57: {  	_ =	shalt  }
0x58: {  	_ =	shalt  }
0x59: {  	_ =	shalt  }
0x5a: {  	_ =	shalt  }
0x5b: {  	_ =	shalt  }
0x5c: {  	_ =	shalt  }
0x5d: {  	_ =	shalt  }
0x5e: {  	_ =	shalt  }
0x5f: {  	_ =	shalt  }
0x60: {  	_ =	shalt  }
0x61: {  	_ =	shalt  }
0x62: {  	_ =	shalt  }
0x63: {  	_ =	shalt  }
0x64: {  	_ =	shalt  }
0x65: {  	_ =	shalt  }
0x66: {  	_ =	shalt  }
0x67: {  	_ =	shalt  }
0x68: {  	_ =	shalt  }
0x69: {  	_ =	shalt  }
0x6a: {  	_ =	shalt  }
0x6b: {  	_ =	shalt  }
0x6c: {  	_ =	shalt  }
0x6d: {  	_ =	shalt  }
0x6e: {  	_ =	shalt  }
0x6f: {  	_ =	shalt  }
0x70: {  	_ =	shalt  }
0x71: {  	_ =	shalt  }
0x72: {  	_ =	shalt  }
0x73: {  	_ =	shalt  }
0x74: {  	_ =	shalt  }
0x75: {  	_ =	shalt  }
0x76: {  	_ =	shalt  }
0x77: {  	_ =	shalt  }
0x78: {  	_ =	shalt  }
0x79: {  	_ =	shalt  }
0x7a: {  	_ =	shalt  }
0x7b: {  	_ =	shalt  }
0x7c: {  	_ =	shalt  }
0x7d: {  	_ =	shalt  }
0x7e: {  	_ =	shalt  }
0x7f: {  	_ =	shalt  }
0x80: {  	_ =	shalt  }
0x81: {  	_ =	shalt  }
0x82: {  	_ =	shalt  }
0x83: {  	_ =	shalt  }
0x84: {  	_ =	shalt  }
0x85: {  	_ =	shalt  }
0x86: {  	_ =	shalt  }
0x87: {  	_ =	shalt  }
.Lfunc_end0:
.L_simem_size_0:
called_computation_lowered:
.L_overlay_start_0:
0x88: {  	s2 =	sld [smem:$0x3FD9]  }
0x89: {  	s3 =	sld [smem:$0x3FFE];
	_ =	sdelay $0x1  }
0x8a: {  	s1 =	srdreg.scid  }
0x8b: {  	s0 =	sand.u32 $0x1, s1  }
0x8c: {  	s14 =	sshll.u32 s0, $0xA;
	s2 =	sadd.s32 s3, s2  }
0x8d: {  	s2 =	sadd.s32 s2, s14  }
0x8e: {  	[smem:$0x3FC1] =	sst s2  }
0x8f: {  	_ = 	snop  }
0x90: {  	s2 =	sld [smem:$0x3FD0];
	_ =	sdelay $0x2  }
0x91: {  	s15 =	simm.s32 $0xA;
	s4 =	simm.s32 $0x10  }
0x92: {  	[smem:s4], [sflag:s15] =	dma.local [hbm:s2], $0x1  }
0x93: {  	_ =	swait.eq [sflag:s15], $0x1  }
0x94: {  	[sflag:s15] =	ssyncset.done $0x0  }
0x95: {  	[sflag:s15] =	ssyncadd.s32 $0xFFFFFFFF  }
0x96: {  	s16 =	sld [smem:$0x11];
	(tm) =	ssettm $0x1  }
0x97: {  	s17 =	sld [smem:$0x3FFB];
	_ =	sdelay $0x3  }
0x98: {  	_ =	strace s17  }
0x99: {  	s3 =	sld [smem:$0x3FFC];
	_ =	sdelay $0x3  }
0x9a: {  	_ =	strace s3  }
0x9b: {  	s3 =	sld [smem:$0x3FFD];
	_ =	sdelay $0x3  }
0x9c: {  	_ =	strace s3  }
0x9d: {  	_ =	strace $0x8FFFFFFF  }
0x9e: {  	s18 =	sld [smem:$0x3FDB];
	_ =	sdelay $0x1  }
0x9f: {  	s19 =	simm.s32 $_scs_section_size  }
0xa0: {  	s5 =	simm.s32 $_size__tile_overlayer_lowered;
	s6 =	simm.s32 $_tile_overlayer_lowered  }
0xa1: {  	s22 =	simm.s32 $0x1BFF;
	s21 =	sshll.u32 s6, $0x1;
	s3 =	sadd.s32 s19, s18  }
0xa2: {  	s7 =	simm.s32 $0x0;
	s20 =	sshll.u32 s5, $0x1;
	s5 =	sadd.s32 s21, s3  }
0xa3: {  	[timem:s7], [sflag:s22] =	dma.local [hbm:s5], s20  }
0xa4: {  	_ =	swait.ge [sflag:s22], s20  }
0xa5: {  	s4 =	ssub.s32 $0x0, s20;
	[sflag:s22] =	ssyncset.done $0x0  }
0xa6: {  	[sflag:s22] =	ssyncadd.s32 s4;
	_ =	sdelay $0x1  }
0xa7: {  	s23 =	simm.s32 $0x1B8B  }
0xa8: {  	_ =	swait.ge [sflag:s23], $0x1  }
0xa9: {  	[sflag:s23] =	ssyncset.done $0x0  }
0xaa: {  	s25 =	simm.s32 $0x1B8E;
	s24 =	sld [smem:$0x3FFE];
	[sflag:s23] =	ssyncadd.s32 $0xFFFFFFFF  }
0xab: {  	s26 =	simm.s32 $execute0_lowered;
	[smem:$0x3FD2] =	sst s25  }
0xac: {  	s5 =	sshll.u32 s26, $0x1;
	_ =	strace $0x80000046;
	[dreg:$0x1] =	wrdreg $0xFFFFFFFF  }
0xad: {  	s28 =	simm.s32 $_size_execute0_lowered;
	s3 =	sadd.s32 s3, s5;
	[dreg:$0x0] =	wrdreg $0x0  }
0xae: {  	s5 =	sshll.u32 s28, $0x1;
	[dreg:$0x2] =	wrdreg s3  }
0xaf: {  	[dreg:$0x3] =	wrdreg s5  }
0xb0: {  	[dreg:$0x4] =	wrdreg $0xC0  }
0xb1: {  	_ =	task [dreg:s7], $0x5FFFF  }
0xb2: {  	[dreg:$0x1] =	wrdreg $0xFFFFFFFF  }
0xb3: {  	[dreg:$0x0] =	wrdreg $0x60  }
0xb4: {  	[dreg:$0x2] =	wrdreg s16  }
0xb5: {  	[dreg:$0x3] =	wrdreg s24  }
0xb6: {  	[dreg:$0x4] =	wrdreg $0x9  }
0xb7: {  	_ =	task.clear_ibuf [dreg:s7], $0x5FFFF;
	_ =	strace $0x90000046  }
0xb8: {  	s29 =	simm.s32 $0x9;
	_ =	strace $0x80000048  }
0xb9: {  	_ =	swait.ge [sflag:s29], $0x1  }
0xba: {  	[sflag:s29] =	ssyncadd.s32 $0xFFFFFFFF  }
0xbb: {  	_ =	strace $0x90000048  }
0xbc: {  	_ =	sfence  }
0xbd: {  	s30 =	sld [smem:$0x0];
	_ =	sdelay $0x2  }
0xbe: {  	s31 =	sshll.u32 s1, $0xD;
	s1 =	sshrl.u32 s1, $0x2  }
0xbf: {  	s3 =	sand.u32 $0x4000, s31;
	s1 =	sadd.s32 s1, s30  }
0xc0: {  	s0 =	sor.u32 s3, s0;
	s1 =	sshll.u32 s1, $0x11  }
0xc1: {  	s0 =	sor.u32 s1, s0  }
0xc2: {  	s0 =	sadd.s32 $0x8F2B, s0  }
0xc3: {  	[sflag:s0] =	ssyncadd.remote.s32 $0x1  }
0xc4: {  	_ =	sfence.sel $0xFFFF  }
0xc5: {  	[dreg:$0x0] =	wrdreg $0xFFFFFFFF;
	(pc) =	sbr.abs _section_cstart, $3  }
0xc6: {  	[dreg:$0x1] =	wrdreg $0xFFFFFFFF  }
0xc7: {  	_ =	task.clear_ibuf [dreg:s7], $0x2FFFF;
	_ =	strace $0x9FFFFFFF  }
0xc8: {  	(tm) =	ssettm $0x7FFFFFFF  }
0xc9: {  	_ =	shalt  }
tec
execute0_lowered:
.L_overlay_start_1:
0x0: {  	(tag) =	ssettag $0x1  }
0x1: {  	s2 =	rddreg [dreg:$0x0]  }
0x2: {  	s1 =	srdreg.scid;
	s0 =	stileid.u32  }
0x3: {  	s12 =	rddreg [dreg:$0x1];
	s7 =	sand.u32 $0x1, s1;
	s4 =	sshll.u32 s0, $0x1  }
0x4: {  	s3 =	simm.s32 $0x0;
	s1 =	rddreg [dreg:$0x2];
	s6 =	sor.u32 s7, s4  }
0x5: {  	[smem:$0x7FF] =	sst s3;
	s4 =	sadd.s32 s6, s12  }
0x6: {  	_ =	strace $0x80000047;
	s5 =	sadd.s32 $0x1E00, s4;
	s4 =	simm.s32 $0x2  }
0x7: {  	[tilespmem:s3], [sflag:$0x2] =	stream.linear.gather [hbm4b:s5+s3], $0x8, $0x38;
	[tilespmem:$0x1880] =	vst v63  }
0x8: {  	_ =	swait.ge [sflag:s4], $0x8  }
0x9: {  	[sflag:s4] =	ssyncset.done $0x0  }
0xa: {  	[sflag:s4] =	ssyncadd.s32 $0xFFFFFFF8  }
0xb: {  	v0 =	vld.msk [tilespmem:$0x0], $0xff;
	_ =	sdelay $0x4  }
0xc: {  	v1 =	vshrl.u32 v0, $0x3  }
0xd: {  	v1 =	vmul.u32 $0x30, v1  }
0xe: {  	v2 =	vlaneseq.u32;
	v3 =	vand.u32 $0x7, v0  }
0xf: {  	v0 =	vand.u32 $0x7, v2;
	v2 =	vshrl.u32 v2, $0x3;
	v3 =	vor.u32 v3, v1  }
0x10: {  	v1 =	vmul.u32 $0x8, v2;
	v2 =	vperm.xlane v3, v0;
	_ =	sdelay $0x1  }
0x11: {  	v2 =	vadd.s32 v1, v2;
	_ =	sdelay $0x2  }
0x12: {  	s8 =	simm.s32 $0x880;
	s10 =	simm.s32 $0x1080;
	s14 =	ssub.s32 $0x2, s7  }
0x13: {  	vm0 =	vmmov $0xffff;
	s13 =	smul.u32 $0x300, s6;
	s6 =	simm.s32 $0x80;
	s15 =	sshrl.u32 s14, $0x1  }
0x14: {  	[tilespmem:s6], [sflag:$0x1] =	stream.indirect_vreg.gather [hbm4b:s2+s3], $0x80, v2, vm0, $0xb8;
	[tilespmem:$0x1880] =	vst v63  }
0x15: {  	s11 =	simm.s32 $0x1;
	s7 =	sadd.s32 $0x100, s2;
	s31 =	ssub.s32 s14, s15  }
0x16: {  	[tilespmem:s8], [sflag:$0x1] =	stream.indirect_vreg.gather [hbm4b:s7+s3], $0x80, v2, vm0, $0xb8;
	[tilespmem:$0x1880] =	vst v63  }
0x17: {  	s9 =	sadd.s32 $0x200, s2;
	s12 =	sadd.s32 s13, s12;
	s13 =	smax.u32 s31, $0x1  }
0x18: {  	[tilespmem:s10], [sflag:$0x1] =	stream.indirect_vreg.gather [hbm4b:s9+s3], $0x80, v2, vm0, $0xb8;
	[tilespmem:$0x1880] =	vst v63  }
0x19: {  	p0 =	sne.s32 s13, $0x1;
	_ =	swait.ge [sflag:s11], $0x1800  }
.Ltmp0:
0x1a: {  	[sflag:s11] =	ssyncset.done $0x0;
	(pc) =	sbr.rel @!p0 .LBB2_2-.Ltmp0, $4  }
0x1b: {  	s12 =	sadd.s32 $0x2000, s12;
	[sflag:s11] =	ssyncadd.s32 $0xFFFFE800  }
0x1c: {  	[hbm4b:s12+s3] =	stream.linear.scatter [tilespmem:s6], [sflag:$0x2], $0x1800, $0x38;
	[tilespmem:$0x1880] =	vst v63  }
0x1d: {  	_ =	swait.ge [sflag:s4], $0x1800  }
0x1e: {  	s13 =	sadd.s32 $0xFFFFFFFF, s13;
	[sflag:s4] =	ssyncset.done $0x0  }
.LBB2_1:
0x1f: {  	p0 =	sne.s32 s13, $0x1;
	s13 =	sadd.s32 $0xFFFFFFFF, s13;
	[sflag:s4] =	ssyncadd.s32 $0xFFFFE800  }
0x20: {  	[tilespmem:s3], [sflag:$0x2] =	stream.linear.gather [hbm4b:s5+s3], $0x8, $0x38;
	[tilespmem:$0x1880] =	vst v63  }
0x21: {  	_ =	swait.ge [sflag:s4], $0x8  }
0x22: {  	[sflag:s4] =	ssyncset.done $0x0  }
0x23: {  	[sflag:s4] =	ssyncadd.s32 $0xFFFFFFF8  }
0x24: {  	v2 =	vld.msk [tilespmem:$0x0], $0xff;
	_ =	sdelay $0x4  }
0x25: {  	v3 =	vshrl.u32 v2, $0x3  }
0x26: {  	v3 =	vmul.u32 $0x30, v3  }
0x27: {  	v2 =	vand.u32 $0x7, v2  }
0x28: {  	v2 =	vor.u32 v2, v3  }
0x29: {  	v2 =	vperm.xlane v2, v0;
	_ =	sdelay $0x1  }
0x2a: {  	v2 =	vadd.s32 v1, v2;
	_ =	sdelay $0x4  }
0x2b: {  	[tilespmem:s6], [sflag:$0x1] =	stream.indirect_vreg.gather [hbm4b:s2+s3], $0x80, v2, vm0, $0xb8;
	[tilespmem:$0x1880] =	vst v63  }
0x2c: {  	_ = 	snop  }
0x2d: {  	[tilespmem:s8], [sflag:$0x1] =	stream.indirect_vreg.gather [hbm4b:s7+s3], $0x80, v2, vm0, $0xb8;
	[tilespmem:$0x1880] =	vst v63  }
0x2e: {  	_ = 	snop  }
0x2f: {  	[tilespmem:s10], [sflag:$0x1] =	stream.indirect_vreg.gather [hbm4b:s9+s3], $0x80, v2, vm0, $0xb8;
	[tilespmem:$0x1880] =	vst v63  }
0x30: {  	_ =	swait.ge [sflag:s11], $0x1800  }
.Ltmp1:
0x31: {  	[sflag:s11] =	ssyncset.done $0x0;
	(pc) =	sbr.rel @p0 .LBB2_1-.Ltmp1, $4  }
0x32: {  	[sflag:s11] =	ssyncadd.s32 $0xFFFFE800  }
0x33: {  	[hbm4b:s12+s3] =	stream.linear.scatter [tilespmem:s6], [sflag:$0x2], $0x1800, $0x38;
	[tilespmem:$0x1880] =	vst v63  }
0x34: {  	_ =	swait.ge [sflag:s4], $0x1800  }
0x35: {  	[sflag:s4] =	ssyncset.done $0x0  }
.LBB2_2:
0x36: {  	[sflag:s4] =	ssyncadd.s32 $0xFFFFE800  }
0x37: {  	_ =	sfence.sel $0x180000  }
0x38: {  	[bflag:$0x0] =	sbarrier.arrive $0xFFFF  }
0x39: {  	p0 =	sne.s32 s0, $0x0;
	_ =	strace $0x90000047  }
0x3a: {  	s0 =	sadd.s32 @!p0 $0x100000, s1;
	[bflag:$0x2] =	sbarrier.arrive $0xFFFF  }
0x3b: {  	[sflag:s0] =	ssyncadd.tile.s32 @!p0 $0x1;
	_ =	shalt  }
.Lfunc_end2:
_tile_overlayer_lowered:
.L_overlay_start_2:
0x3c: {  	(tag) =	ssettag $0x2  }
0x3d: {  	s0 =	rddreg [dreg:$0x0];
	s2 =	stileid.u32  }
0x3e: {  	s1 =	rddreg [dreg:$0x1];
	p0 =	sne.s32 s2, $0x0  }
0x3f: {  	s3 =	rddreg [dreg:$0x2];
	[bflag:$0x3] =	sbarrier.arrive $0xFFFF;
	s2 =	simm.s32 @!p0 $0x1C02  }
0x40: {  	[timem:s3], [sflag:s2] =	dma.local @!p0 [hbm:s0], s1  }
0x41: {  	s0 =	simm.s32 @!p0 $0x2  }
0x42: {  	_ =	swait.ge @!p0 [sflag:s0], s1  }
0x43: {  	s1 =	ssub.s32 @!p0 $0x0, s1;
	[sflag:s0] =	ssyncset.done @!p0 $0x0  }
0x44: {  	[sflag:s0] =	ssyncadd.s32 @!p0 s1  }
0x45: {  	[bflag:$0x3] =	sbarrier.arrive $0xFFFF  }
0x46: {  	_ =	shalt  }

</sc_bundles>
